<compile_context>
chip_gen: v7x
topology: tpu7x:2x2x1
jax: 0.10.2.dev20260603
libtpu: 0.0.44.dev20260713+nightly
codegen_flags: <defaults>
</compile_context>

<pallas_src>
import functools

import jax
import jax.numpy as jnp
from jax import lax
from jax.experimental import pallas as pl
from jax.experimental.pallas import tpu as pltpu
from jax.experimental.pallas import tpu_sc as plsc

F32 = jnp.float32
NC = 2
NS = 16
L = 16
NW = NC * NS


def _sc_mesh():
    return plsc.VectorSubcoreMesh(
        core_axis_name="c", subcore_axis_name="s", num_cores=NC, num_subcores=NS
    )


def _fill_1d(ref, total, val):
    vec = jnp.full((L,), val, F32)

    def body(i, _):
        ref[pl.ds(i * L, L)] = vec
        return _

    lax.fori_loop(0, total // L, body, None)


@functools.partial(jax.jit, static_argnums=(1,))
def _deg_pass(ei, n):
    e = ei.shape[1]
    epw = e // NW

    @functools.partial(
        pl.kernel,
        out_type=jax.ShapeDtypeStruct((NC * n,), F32),
        mesh=_sc_mesh(),
        scratch_types=[
            pltpu.VMEM((epw,), jnp.int32),
            pltpu.VMEM((epw,), F32),
            pltpu.VMEM_SHARED((n,), F32),
        ],
        compiler_params=pltpu.CompilerParams(use_tc_tiling_on_sc=False),
    )
    def deg_k(ei_hbm, out_hbm, idx_v, ones_v, acc_sh):
        cid = lax.axis_index("c")
        sid = lax.axis_index("s")
        wid = sid * NC + cid

        @pl.when(sid == 0)
        def _():
            initval = jnp.where(cid == 0, 1.0, 0.0).astype(F32)
            _fill_1d(ones_v, epw, initval)
            pltpu.sync_copy(ones_v, acc_sh)

        _fill_1d(ones_v, epw, 1.0)
        plsc.subcore_barrier()

        pltpu.sync_copy(ei_hbm.at[1, pl.ds(wid * epw, epw)], idx_v)
        pltpu.sync_copy(ones_v, acc_sh.at[idx_v], add=True)
        plsc.subcore_barrier()

        nwo = n // 1000

        @pl.when(sid < nwo)
        def _():
            pltpu.sync_copy(acc_sh.at[pl.ds(sid * 1000, 1000)], ones_v.at[pl.ds(0, 1000)])
            pltpu.sync_copy(
                ones_v.at[pl.ds(0, 1000)], out_hbm.at[pl.ds(cid * n + sid * 1000, 1000)]
            )

    return deg_k(ei)


_KCH = 400


@functools.partial(jax.jit, static_argnums=(2, 3))
def _msg_pass(ei, y, n, w):
    if w >= L:
        return _msg_pass_fill(ei, y, n, w)
    z = jnp.zeros((n, w), F32)
    return _msg_pass_z(ei, y, z, n, w)


@functools.partial(jax.jit, static_argnums=(3, 4))
def _msg_pass_z(ei, y, z, n, w):
    e = ei.shape[1]
    epw = e // NW
    K = _KCH
    nchunk = epw // K

    @functools.partial(
        pl.kernel,
        out_type=jax.ShapeDtypeStruct((NC, n, w), F32),
        mesh=_sc_mesh(),
        scratch_types=[
            pltpu.VMEM((epw,), jnp.int32),
            pltpu.VMEM((nchunk, K), jnp.int32),
            pltpu.VMEM((2, K, w), F32),
            pltpu.VMEM_SHARED((n, w), F32),
            pltpu.SemaphoreType.DMA,
            pltpu.SemaphoreType.DMA,
        ],
        compiler_params=pltpu.CompilerParams(use_tc_tiling_on_sc=False),
    )
    def msg_k(ei_hbm, y_hbm, z_hbm, out_hbm, sidx_v, didx_v, rows_v, acc_sh, sem0, sem1):
        cid = lax.axis_index("c")
        sid = lax.axis_index("s")
        wid = sid * NC + cid
        sems = [sem0, sem1]

        @pl.when(sid < n // 1000)
        def _():
            pltpu.sync_copy(
                z_hbm.at[pl.ds(sid * 1000, 1000)], acc_sh.at[pl.ds(sid * 1000, 1000)]
            )

        plsc.subcore_barrier()

        base = wid * epw
        dcps = [
            pltpu.async_copy(
                ei_hbm.at[1, pl.ds(base + i * K, K)], didx_v.at[i], sem1
            )
            for i in range(nchunk)
        ]
        pltpu.sync_copy(ei_hbm.at[0, pl.ds(base, epw)], sidx_v)

        g = [None, None]
        g[0] = pltpu.async_copy(y_hbm.at[sidx_v.at[pl.ds(0, K)]], rows_v.at[0], sem0)
        for d in dcps:
            d.wait()
        for i in range(nchunk):
            s = i % 2
            o = 1 - s
            if i + 1 < nchunk:
                g[o] = pltpu.async_copy(
                    y_hbm.at[sidx_v.at[pl.ds((i + 1) * K, K)]], rows_v.at[o], sems[o]
                )
            g[s].wait()
            pltpu.sync_copy(rows_v.at[s], acc_sh.at[didx_v.at[i]], add=True)

        plsc.subcore_barrier()

        @pl.when(sid < n // 1000)
        def _():
            for off, sz in ((0, K), (K, K), (2 * K, 1000 - 2 * K)):
                pltpu.sync_copy(
                    acc_sh.at[pl.ds(sid * 1000 + off, sz)],
                    rows_v.at[0, pl.ds(0, sz)],
                )
                pltpu.sync_copy(
                    rows_v.at[0, pl.ds(0, sz)],
                    out_hbm.at[cid, pl.ds(sid * 1000 + off, sz)],
                )

    return msg_k(ei, y, z)


@functools.partial(jax.jit, static_argnums=(2, 3))
def _msg_pass_fill(ei, y, n, w):
    e = ei.shape[1]
    epw = e // NW
    K = _KCH
    nchunk = epw // K

    @functools.partial(
        pl.kernel,
        out_type=jax.ShapeDtypeStruct((NC, n, w), F32),
        mesh=_sc_mesh(),
        scratch_types=[
            pltpu.VMEM((epw,), jnp.int32),
            pltpu.VMEM((nchunk, K), jnp.int32),
            pltpu.VMEM((2, K, w), F32),
            pltpu.VMEM_SHARED((n, w), F32),
            pltpu.SemaphoreType.DMA,
            pltpu.SemaphoreType.DMA,
        ],
        compiler_params=pltpu.CompilerParams(use_tc_tiling_on_sc=False),
    )
    def msg_k(ei_hbm, y_hbm, out_hbm, sidx_v, didx_v, rows_v, acc_sh, sem0, sem1):
        cid = lax.axis_index("c")
        sid = lax.axis_index("s")
        wid = sid * NC + cid
        sems = [sem0, sem1]

        zvec = jnp.zeros((L,), F32)

        @pl.when(sid < n // 1000)
        def _():
            def zb(r, _):
                for j in range(w // L):
                    rows_v[0, r, pl.ds(j * L, L)] = zvec
                return _

            lax.fori_loop(0, K, zb, None)
            for off, sz in ((0, K), (K, K), (2 * K, 1000 - 2 * K)):
                pltpu.sync_copy(
                    rows_v.at[0, pl.ds(0, sz)],
                    acc_sh.at[pl.ds(sid * 1000 + off, sz)],
                )

        plsc.subcore_barrier()

        base = wid * epw
        dcps = [
            pltpu.async_copy(
                ei_hbm.at[1, pl.ds(base + i * K, K)], didx_v.at[i], sem1
            )
            for i in range(nchunk)
        ]
        pltpu.sync_copy(ei_hbm.at[0, pl.ds(base, epw)], sidx_v)

        g = [None, None]
        g[0] = pltpu.async_copy(y_hbm.at[sidx_v.at[pl.ds(0, K)]], rows_v.at[0], sem0)
        for d in dcps:
            d.wait()
        for i in range(nchunk):
            s = i % 2
            o = 1 - s
            if i + 1 < nchunk:
                g[o] = pltpu.async_copy(
                    y_hbm.at[sidx_v.at[pl.ds((i + 1) * K, K)]], rows_v.at[o], sems[o]
                )
            g[s].wait()
            pltpu.sync_copy(rows_v.at[s], acc_sh.at[didx_v.at[i]], add=True)

        plsc.subcore_barrier()

        @pl.when(sid < n // 1000)
        def _():
            for off, sz in ((0, K), (K, K), (2 * K, 1000 - 2 * K)):
                pltpu.sync_copy(
                    acc_sh.at[pl.ds(sid * 1000 + off, sz)],
                    rows_v.at[0, pl.ds(0, sz)],
                )
                pltpu.sync_copy(
                    rows_v.at[0, pl.ds(0, sz)],
                    out_hbm.at[cid, pl.ds(sid * 1000 + off, sz)],
                )

    return msg_k(ei, y)


def _two_halves_specs(n, w):
    return [
        pl.BlockSpec((1, _BLK, w), lambda i: (0, i, 0)),
        pl.BlockSpec((1, _BLK, w), lambda i: (1, i, 0)),
    ]


_BLK = 2000


def _mm_body(a_ref, b_ref, o_ref):
    o_ref[...] = jnp.dot(a_ref[...], b_ref[...], preferred_element_type=F32)


@jax.jit
def _tc_matmul(a, b):
    n, k = a.shape
    m = b.shape[1]
    return pl.pallas_call(
        _mm_body,
        grid=(n // _BLK,),
        in_specs=[
            pl.BlockSpec((_BLK, k), lambda i: (i, 0)),
            pl.BlockSpec((k, m), lambda i: (0, 0)),
        ],
        out_specs=pl.BlockSpec((_BLK, m), lambda i: (i, 0)),
        out_shape=jax.ShapeDtypeStruct((n, m), F32),
    )(a, b)


def kernel(x, edge_index, W1, b1, W2, b2):
    n, _ = x.shape
    d_hid = W1.shape[1]
    d_out = W2.shape[1]
    wpad = 16

    deg_flat = _deg_pass(edge_index, n)
    dinv = lax.rsqrt(deg_flat[:n] + deg_flat[n:])[:, None]

    xw = _tc_matmul(x, W1)
    y1 = xw * dinv
    p = _msg_pass(edge_index, y1, n, d_hid)

    h = jnp.maximum((p[0] + p[1] + y1) * dinv + b1[None, :], 0.0)
    w2p = jnp.zeros((d_hid, wpad), F32).at[:, :d_out].set(W2)
    hw = _tc_matmul(h, w2p)
    y2p = hw * dinv
    q = _msg_pass(edge_index, y2p, n, wpad)

    out = (q[0, :, :d_out] + q[1, :, :d_out] + y2p[:, :d_out]) * dinv + b2[None, :]
    return out

# --- scband reference (transcript-rebuilt; emitter-appended) ---
"""Pipeline reference for scband-simple-gcn-5342939316786 (READ-ONLY COPY).

The authoritative reference and input builder live on the scoring server;
editing this copy changes nothing except your own understanding.
"""

import jax, jax.numpy as jnp
import numpy as np

N = 10000
E = 320000
D_IN = 128
D_HID = 64
D_OUT = 2


def gcn_conv(x, src, dst, W, b):
    # PyG GCNConv semantics: linear transform, add self-loops,
    # symmetric normalization D^-1/2 A D^-1/2, scatter-add aggregation, then bias.
    n = x.shape[0]
    xw = x @ W
    loop = jnp.arange(n, dtype=src.dtype)
    src_f = jnp.concatenate([src, loop])
    dst_f = jnp.concatenate([dst, loop])
    deg = jnp.zeros((n,), dtype=x.dtype).at[dst_f].add(1.0)
    dinv = jnp.where(deg > 0, deg ** -0.5, 0.0)
    norm = dinv[src_f] * dinv[dst_f]
    msg = xw[src_f] * norm[:, None]
    out = jnp.zeros((n, W.shape[1]), dtype=x.dtype).at[dst_f].add(msg)
    return out + b


def setup_inputs(seed: int = 0) -> dict:
    key = jax.random.key(seed)
    k1, k2, k3, k4, k5, k6 = jax.random.split(key, 6)
    x = jax.random.normal(k1, (N, D_IN), dtype=jnp.float32)
    edge_index = jax.random.randint(k2, (2, E), 0, N, dtype=jnp.int32)
    W1 = jax.random.normal(k3, (D_IN, D_HID), dtype=jnp.float32) * (1.0 / np.sqrt(D_IN))
    b1 = jnp.zeros((D_HID,), dtype=jnp.float32)
    W2 = jax.random.normal(k4, (D_HID, D_OUT), dtype=jnp.float32) * (1.0 / np.sqrt(D_HID))
    b2 = jnp.zeros((D_OUT,), dtype=jnp.float32)
    return {"x": x, "edge_index": edge_index, "W1": W1, "b1": b1, "W2": W2, "b2": b2}


def reference(x, edge_index, W1, b1, W2, b2):
    src = edge_index[0]
    dst = edge_index[1]
    h = jax.nn.relu(gcn_conv(x, src, dst, W1, b1))
    # F.dropout with training=False (eval mode) is identity
    out = gcn_conv(h, src, dst, W2, b2)
    return out

if __name__ == "__main__":
    import jax
    _d = setup_inputs()
    print(jax.jit(kernel)(*tuple(_d.values())))

</pallas_src>

<mosaic_0001>
#map = affine_map<(d0, d1) -> (0, 0)>
#map1 = affine_map<(d0, d1) -> (0)>
module attributes {stable_mosaic.version = 14 : i64} {
  func.func @deg_k(%arg0: i32, %arg1: i32, %arg2: memref<2x320000xi32, #tpu.memory_space<hbm>>, %arg3: memref<20000xf32, #tpu.memory_space<hbm>>, %arg4: memref<10000xi32, #tpu.memory_space<vmem>>, %arg5: memref<10000xf32, #tpu.memory_space<vmem>>, %arg6: memref<10000xf32, #tpu.memory_space<vmem_shared>>) attributes {dimension_semantics = [#tpu.dimension_semantics<core_parallel>, #tpu.dimension_semantics<subcore_parallel>], iteration_bounds = array<i64: 2, 16>, scalar_prefetch = 0 : i64, scratch_operands = 3 : i64, tpu.core_type = #tpu.core_type<sc_vector_subcore>, window_params = [{transform_indices = #map}, {transform_indices = #map1}]} {
    %mul3A = arith.constant 2 : i32
    %mul3A_0 = arith.muli %arg1, %mul3A : i32
    %add3A = arith.addi %mul3A_0, %arg0 : i32
    %eq3A = arith.constant 0 : i32
    %eq3A_1 = arith.cmpi eq, %arg1, %eq3A : i32
    %convert_element_type3A = arith.extui %eq3A_1 : i1 to i32
    %cond3A = arith.constant 0 : i32
    %cond3A_2 = arith.cmpi ne, %convert_element_type3A, %cond3A : i32
    scf.if %cond3A_2 {
      %eq3A_15 = arith.constant 0 : i32
      %eq3A_16 = arith.cmpi eq, %arg0, %eq3A_15 : i32
      %jit3A = arith.constant 1.000000e+00 : f32
      %jit3A_17 = arith.constant 0.000000e+00 : f32
      %select_n3A = arith.select %eq3A_16, %jit3A, %jit3A_17 : f32
      %broadcast_in_dim3A_18 = vector.broadcast %select_n3A : f32 to vector<16xf32>
      %scan3A_19 = arith.constant 0 : i32
      %scan3A_20 = arith.constant 625 : i32
      %scan3A_21 = arith.addi %scan3A_19, %scan3A_20 : i32
      %scan3A_22 = arith.constant 1 : i32
      scf.for %scan3A_24 = %scan3A_19 to %scan3A_21 step %scan3A_22  : i32 {
        %mul3A_25 = arith.constant 16 : i32
        %mul3A_26 = arith.muli %scan3A_24, %mul3A_25 : i32
        %swap3A = arith.index_cast %mul3A_26 : i32 to index
        %swap3A_27 = tpu.vector_load %arg5[%swap3A] {strides = array<i32>} : memref<10000xf32, #tpu.memory_space<vmem>>, vector<16xf32>,
        %swap3A_28 = vector.shape_cast %swap3A_27 : vector<16xf32> to vector<16xf32>
        %swap3A_29 = vector.shape_cast %broadcast_in_dim3A_18 : vector<16xf32> to vector<16xf32>
        tpu.vector_store %arg5[%swap3A], %swap3A_29 {strides = array<i32>} : memref<10000xf32, #tpu.memory_space<vmem>>, vector<16xf32>,
      }
      %scan3A_23 = arith.constant 625 : i32
      "tpu.region"() ({
        %run_scoped3A_24 = tpu.sem_alloc : memref<!tpu.dma_semaphore, #tpu.memory_space<semaphore_mem>>
        tpu.enqueue_dma source(%arg5 : memref<10000xf32, #tpu.memory_space<vmem>>) target(%arg6 : memref<10000xf32, #tpu.memory_space<vmem_shared>>) target_semaphore(%run_scoped3A_24 : memref<!tpu.dma_semaphore, #tpu.memory_space<semaphore_mem>>)
        tpu.wait_dma2 semaphore(%run_scoped3A_24 : memref<!tpu.dma_semaphore, #tpu.memory_space<semaphore_mem>>) src(%arg5 : memref<10000xf32, #tpu.memory_space<vmem>>) dst(%arg6 : memref<10000xf32, #tpu.memory_space<vmem_shared>>)
        tpu.yield
      }) : () -> ()
    } else {
    }
    %broadcast_in_dim3A = arith.constant 1.000000e+00 : f32
    %broadcast_in_dim3A_3 = vector.broadcast %broadcast_in_dim3A : f32 to vector<16xf32>
    %scan3A = arith.constant 0 : i32
    %scan3A_4 = arith.constant 625 : i32
    %scan3A_5 = arith.addi %scan3A, %scan3A_4 : i32
    %scan3A_6 = arith.constant 1 : i32
    scf.for %scan3A_15 = %scan3A to %scan3A_5 step %scan3A_6  : i32 {
      %mul3A_16 = arith.constant 16 : i32
      %mul3A_17 = arith.muli %scan3A_15, %mul3A_16 : i32
      %swap3A = arith.index_cast %mul3A_17 : i32 to index
      %swap3A_18 = tpu.vector_load %arg5[%swap3A] {strides = array<i32>} : memref<10000xf32, #tpu.memory_space<vmem>>, vector<16xf32>,
      %swap3A_19 = vector.shape_cast %swap3A_18 : vector<16xf32> to vector<16xf32>
      %swap3A_20 = vector.shape_cast %broadcast_in_dim3A_3 : vector<16xf32> to vector<16xf32>
      tpu.vector_store %arg5[%swap3A], %swap3A_20 {strides = array<i32>} : memref<10000xf32, #tpu.memory_space<vmem>>, vector<16xf32>,
    }
    %scan3A_7 = arith.constant 625 : i32
    %barrier3A = arith.constant 0 : index
    tpu.barrier barrier_id(%barrier3A)
    %mul3A_8 = arith.constant 10000 : i32
    %mul3A_9 = arith.muli %add3A, %mul3A_8 : i32
    %run_scoped3A = arith.constant 1 : i32
    "tpu.region"() ({
      %run_scoped3A_15 = tpu.sem_alloc : memref<!tpu.dma_semaphore, #tpu.memory_space<semaphore_mem>>
      %dma_start3A = tpu.memref_slice %arg2[%run_scoped3A, %mul3A_9] : memref<2x320000xi32, #tpu.memory_space<hbm>> -> memref<1x10000xi32, #tpu.memory_space<hbm>>
      %dma_start3A_16 = tpu.memref_squeeze %dma_start3A : memref<1x10000xi32, #tpu.memory_space<hbm>> -> memref<10000xi32, #tpu.memory_space<hbm>>
      %dma_start3A_17 = tpu.memref_slice %arg2[%run_scoped3A, %mul3A_9] : memref<2x320000xi32, #tpu.memory_space<hbm>> -> memref<1x10000xi32, #tpu.memory_space<hbm>>
      %dma_start3A_18 = tpu.memref_squeeze %dma_start3A_17 : memref<1x10000xi32, #tpu.memory_space<hbm>> -> memref<10000xi32, #tpu.memory_space<hbm>>
      tpu.enqueue_dma source(%dma_start3A_18 : memref<10000xi32, #tpu.memory_space<hbm>>) target(%arg4 : memref<10000xi32, #tpu.memory_space<vmem>>) target_semaphore(%run_scoped3A_15 : memref<!tpu.dma_semaphore, #tpu.memory_space<semaphore_mem>>)
      %dma_wait3A = tpu.memref_slice %arg2[%run_scoped3A, %mul3A_9] : memref<2x320000xi32, #tpu.memory_space<hbm>> -> memref<1x10000xi32, #tpu.memory_space<hbm>>
      %dma_wait3A_19 = tpu.memref_squeeze %dma_wait3A : memref<1x10000xi32, #tpu.memory_space<hbm>> -> memref<10000xi32, #tpu.memory_space<hbm>>
      %dma_wait3A_20 = tpu.memref_slice %arg2[%run_scoped3A, %mul3A_9] : memref<2x320000xi32, #tpu.memory_space<hbm>> -> memref<1x10000xi32, #tpu.memory_space<hbm>>
      %dma_wait3A_21 = tpu.memref_squeeze %dma_wait3A_20 : memref<1x10000xi32, #tpu.memory_space<hbm>> -> memref<10000xi32, #tpu.memory_space<hbm>>
      tpu.wait_dma2 semaphore(%run_scoped3A_15 : memref<!tpu.dma_semaphore, #tpu.memory_space<semaphore_mem>>) src(%dma_wait3A_21 : memref<10000xi32, #tpu.memory_space<hbm>>) dst(%arg4 : memref<10000xi32, #tpu.memory_space<vmem>>)
      tpu.yield
    }) : () -> ()
    "tpu.region"() ({
      %run_scoped3A_15 = tpu.sem_alloc : memref<!tpu.dma_semaphore, #tpu.memory_space<semaphore_mem>>
      %dma_start3A = arith.constant 0 : i32
      %dma_start3A_16 = tpu.memref_slice %arg6[%dma_start3A] : memref<10000xf32, #tpu.memory_space<vmem_shared>> -> memref<10000xf32, #tpu.memory_space<vmem_shared>>
      tpu.enqueue_indirect_dma source(%arg5 : memref<10000xf32, #tpu.memory_space<vmem>>) target(%dma_start3A_16 : memref<10000xf32, #tpu.memory_space<vmem_shared>>) offsets(%arg4 : memref<10000xi32, #tpu.memory_space<vmem>>) semaphore(%run_scoped3A_15 : memref<!tpu.dma_semaphore, #tpu.memory_space<semaphore_mem>>) {add = true}
      %dma_wait3A = arith.constant 0 : i32
      %dma_wait3A_17 = tpu.memref_slice %arg6[%dma_wait3A] : memref<10000xf32, #tpu.memory_space<vmem_shared>> -> memref<10000xf32, #tpu.memory_space<vmem_shared>>
      tpu.wait_indirect_dma semaphore(%run_scoped3A_15 : memref<!tpu.dma_semaphore, #tpu.memory_space<semaphore_mem>>) src(%arg5 : memref<10000xf32, #tpu.memory_space<vmem>>) dst(%dma_wait3A_17 : memref<10000xf32, #tpu.memory_space<vmem_shared>>)
      tpu.yield
    }) : () -> ()
    %barrier3A_10 = arith.constant 0 : index
    tpu.barrier barrier_id(%barrier3A_10)
    %lt3A = arith.constant 10 : i32
    %lt3A_11 = arith.cmpi slt, %arg1, %lt3A : i32
    %convert_element_type3A_12 = arith.extui %lt3A_11 : i1 to i32
    %cond3A_13 = arith.constant 0 : i32
    %cond3A_14 = arith.cmpi ne, %convert_element_type3A_12, %cond3A_13 : i32
    scf.if %cond3A_14 {
      %mul3A_15 = arith.constant 1000 : i32
      %mul3A_16 = arith.muli %arg1, %mul3A_15 : i32
      "tpu.region"() ({
        %run_scoped3A_22 = tpu.sem_alloc : memref<!tpu.dma_semaphore, #tpu.memory_space<semaphore_mem>>
        %dma_start3A = arith.constant 0 : i32
        %dma_start3A_23 = tpu.memref_slice %arg5[%dma_start3A] : memref<10000xf32, #tpu.memory_space<vmem>> -> memref<1000xf32, #tpu.memory_space<vmem>>
        %dma_start3A_24 = tpu.memref_slice %arg6[%mul3A_16] : memref<10000xf32, #tpu.memory_space<vmem_shared>> -> memref<1000xf32, #tpu.memory_space<vmem_shared>>
        %dma_start3A_25 = arith.constant 0 : i32
        %dma_start3A_26 = tpu.memref_slice %arg5[%dma_start3A_25] : memref<10000xf32, #tpu.memory_space<vmem>> -> memref<1000xf32, #tpu.memory_space<vmem>>
        %dma_start3A_27 = tpu.memref_slice %arg6[%mul3A_16] : memref<10000xf32, #tpu.memory_space<vmem_shared>> -> memref<1000xf32, #tpu.memory_space<vmem_shared>>
        tpu.enqueue_dma source(%dma_start3A_27 : memref<1000xf32, #tpu.memory_space<vmem_shared>>) target(%dma_start3A_26 : memref<1000xf32, #tpu.memory_space<vmem>>) target_semaphore(%run_scoped3A_22 : memref<!tpu.dma_semaphore, #tpu.memory_space<semaphore_mem>>)
        %dma_wait3A = arith.constant 0 : i32
        %dma_wait3A_28 = tpu.memref_slice %arg5[%dma_wait3A] : memref<10000xf32, #tpu.memory_space<vmem>> -> memref<1000xf32, #tpu.memory_space<vmem>>
        %dma_wait3A_29 = tpu.memref_slice %arg6[%mul3A_16] : memref<10000xf32, #tpu.memory_space<vmem_shared>> -> memref<1000xf32, #tpu.memory_space<vmem_shared>>
        %dma_wait3A_30 = arith.constant 0 : i32
        %dma_wait3A_31 = tpu.memref_slice %arg5[%dma_wait3A_30] : memref<10000xf32, #tpu.memory_space<vmem>> -> memref<1000xf32, #tpu.memory_space<vmem>>
        %dma_wait3A_32 = tpu.memref_slice %arg6[%mul3A_16] : memref<10000xf32, #tpu.memory_space<vmem_shared>> -> memref<1000xf32, #tpu.memory_space<vmem_shared>>
        tpu.wait_dma2 semaphore(%run_scoped3A_22 : memref<!tpu.dma_semaphore, #tpu.memory_space<semaphore_mem>>) src(%dma_wait3A_32 : memref<1000xf32, #tpu.memory_space<vmem_shared>>) dst(%dma_wait3A_31 : memref<1000xf32, #tpu.memory_space<vmem>>)
        tpu.yield
      }) : () -> ()
      %mul3A_17 = arith.constant 10000 : i32
      %mul3A_18 = arith.muli %arg0, %mul3A_17 : i32
      %mul3A_19 = arith.constant 1000 : i32
      %mul3A_20 = arith.muli %arg1, %mul3A_19 : i32
      %add3A_21 = arith.addi %mul3A_18, %mul3A_20 : i32
      "tpu.region"() ({
        %run_scoped3A_22 = tpu.sem_alloc : memref<!tpu.dma_semaphore, #tpu.memory_space<semaphore_mem>>
        %dma_start3A = arith.constant 0 : i32
        %dma_start3A_23 = tpu.memref_slice %arg5[%dma_start3A] : memref<10000xf32, #tpu.memory_space<vmem>> -> memref<1000xf32, #tpu.memory_space<vmem>>
        %dma_start3A_24 = tpu.memref_slice %arg3[%add3A_21] : memref<20000xf32, #tpu.memory_space<hbm>> -> memref<1000xf32, #tpu.memory_space<hbm>>
        %dma_start3A_25 = tpu.memref_slice %arg3[%add3A_21] : memref<20000xf32, #tpu.memory_space<hbm>> -> memref<1000xf32, #tpu.memory_space<hbm>>
        %dma_start3A_26 = arith.constant 0 : i32
        %dma_start3A_27 = tpu.memref_slice %arg5[%dma_start3A_26] : memref<10000xf32, #tpu.memory_space<vmem>> -> memref<1000xf32, #tpu.memory_space<vmem>>
        tpu.enqueue_dma source(%dma_start3A_27 : memref<1000xf32, #tpu.memory_space<vmem>>) target(%dma_start3A_25 : memref<1000xf32, #tpu.memory_space<hbm>>) target_semaphore(%run_scoped3A_22 : memref<!tpu.dma_semaphore, #tpu.memory_space<semaphore_mem>>)
        %dma_wait3A = arith.constant 0 : i32
        %dma_wait3A_28 = tpu.memref_slice %arg5[%dma_wait3A] : memref<10000xf32, #tpu.memory_space<vmem>> -> memref<1000xf32, #tpu.memory_space<vmem>>
        %dma_wait3A_29 = tpu.memref_slice %arg3[%add3A_21] : memref<20000xf32, #tpu.memory_space<hbm>> -> memref<1000xf32, #tpu.memory_space<hbm>>
        %dma_wait3A_30 = tpu.memref_slice %arg3[%add3A_21] : memref<20000xf32, #tpu.memory_space<hbm>> -> memref<1000xf32, #tpu.memory_space<hbm>>
        %dma_wait3A_31 = arith.constant 0 : i32
        %dma_wait3A_32 = tpu.memref_slice %arg5[%dma_wait3A_31] : memref<10000xf32, #tpu.memory_space<vmem>> -> memref<1000xf32, #tpu.memory_space<vmem>>
        tpu.wait_dma2 semaphore(%run_scoped3A_22 : memref<!tpu.dma_semaphore, #tpu.memory_space<semaphore_mem>>) src(%dma_wait3A_32 : memref<1000xf32, #tpu.memory_space<vmem>>) dst(%dma_wait3A_30 : memref<1000xf32, #tpu.memory_space<hbm>>)
        tpu.yield
      }) : () -> ()
    } else {
    }
    return
  }
}

</mosaic_0001>

<sc_bundles>
// kernel: _deg_pass.3.cloned.1.call-start
scs
__scs_entry_jumppad:
0x0: {  	(pc) =	sbr.rel $0x88, $3  }
0x1: {  	(tag) =	ssettag $0x0;
	lr =	simm.s32 $0x1  }
0x2: {  	[smem:$0x3FA0] =	sst lr;
	_ =	strace $0xD0000000  }
0x3: {  	_ = 	snop  }
0x4: {  	_ = 	snop  }
0x5: {  	_ = 	snop  }
0x6: {  	_ = 	snop  }
0x7: {  	_ = 	snop  }
__scs_overlays_trampoline_lowered:
0x8: {  	[smem:$0x3FAF] =	sst s0  }
0x9: {  	[smem:$0x3FB0] =	sst s1  }
0xa: {  	[smem:$0x3FB1] =	sst s2  }
0xb: {  	[smem:$0x3FB2] =	sst s3  }
0xc: {  	[smem:$0x3FB3] =	sst s4  }
0xd: {  	[smem:$0x3FB4] =	sst s5  }
0xe: {  	[smem:$0x3FB5] =	sst s6  }
0xf: {  	[smem:$0x3FB6] =	sst s7  }
0x10: {  	[smem:$0x3FB7] =	sst s8  }
0x11: {  	[smem:$0x3FB8] =	sst s9;
	s0 =	simm.s32 @!p0 $0x0  }
0x12: {  	s1 =	sld [smem:$0x3F9E];
	s0 =	simm.s32 @p0 $0x1  }
0x13: {  	[smem:$0x3FB9] =	sst s0;
	s0 =	simm.s32 @!p1 $0x0  }
0x14: {  	s2 =	sld [smem:$0x3F9D];
	s0 =	simm.s32 @p1 $0x1  }
0x15: {  	[smem:$0x3FBA] =	sst s0;
	s0 =	simm.s32 @!p2 $0x0  }
0x16: {  	s3 =	sld [smem:$0x3FDB];
	s0 =	simm.s32 @p2 $0x1  }
0x17: {  	s4 =	simm.s32 $0x1BF5;
	[smem:$0x3FBC] =	sst s0  }
0x18: {  	s0 =	sld [smem:$0x3F9F];
	_ =	swait.ge [sflag:s4], $0x0  }
0x19: {  	s7 =	sld [smem:$0x3FA0]  }
0x1a: {  	s8 =	sadd.s32 $0xFFFFE003, lr  }
0x1b: {  	s9 =	sadd.s32 $0xFFFFFEF7, lr;
	s5 =	simm.s32 $0xFFFFFFFF;
	p2 =	slt.u32 s8, $0xFFFFF086  }
0x1c: {  	p1 =	slt.u32 s9, $0xF7A;
	s5 =	simm.s32 @!p2 $0x0  }
0x1d: {  	s5 =	simm.s32 @p1 $0x1;
	p0 =	seq.s32 s7, s2  }
0x1e: {  	s7 =	smul.u32 @!p0 $0xF7A, s2;
	p2 =	seq.s32 @!p0 s5, $0x0  }
0x1f: {  	s9 =	smul.u32 $0xF7A, s1;
	s8 =	simm.s32 @!p0 $0x1BF5;
	p2 =	por !p2, p0  }
0x20: {  	[sflag:s8] =	ssyncset.s32 @!p0 $0xFFFFF086;
	s6 =	sadd.s32 @!p0 s3, s7;
	s7 =	simm.s32 @!p0 $0x108  }
0x21: {  	s3 =	sadd.s32 s3, s9;
	s6 =	sadd.s32 @!p0 $0x88, s6;
	s7 =	simm.s32 @p2 $0x1082  }
0x22: {  	[simem:s7], [sflag:s8] =	dma.local @!p0 [hbm:s6], $0xF7A  }
0x23: {  	s9 =	sor.u32 $0xD0000000, s2;
	s6 =	simm.s32 $0x108;
	_ =	swait.ge @!p0 [sflag:s8], $0x0  }
0x24: {  	s3 =	sadd.s32 $0x88, s3;
	s6 =	simm.s32 @!p1 $0x1082;
	[sflag:s4] =	ssyncset.s32 $0xFFFFF086  }
0x25: {  	[simem:s6], [sflag:s4] =	dma.local [hbm:s3], $0xF7A  }
0x26: {  	[smem:$0x3FA0] =	sst s1;
	(tag) =	ssettag s2;
	_ =	strace s9  }
0x27: {  	s1 =	sld [smem:$0x3FB0]  }
0x28: {  	s2 =	sld [smem:$0x3FB1]  }
0x29: {  	s4 =	sld [smem:$0x3FB3]  }
0x2a: {  	p0 =	seq.s32 s5, $0x0;
	s5 =	sld [smem:$0x3FB4]  }
0x2b: {  	s6 =	sld [smem:$0x3FB5]  }
0x2c: {  	s7 =	sld [smem:$0x3FB6]  }
0x2d: {  	s3 =	simm.s32 $0x108;
	s8 =	sld [smem:$0x3FB7]  }
0x2e: {  	s3 =	simm.s32 @!p0 $0x1082;
	s9 =	sld [smem:$0x3FB8]  }
0x2f: {  	lr =	sadd.s32 s0, s3;
	s0 =	sld [smem:$0x3FAF]  }
0x30: {  	s3 =	sld [smem:$0x3FB2]  }
0x31: {  	[smem:$0x3FBB] =	sst s10  }
0x32: {  	s10 =	sld [smem:$0x3FB9];
	_ =	sdelay $0x3  }
0x33: {  	p0 =	seq.s32 s10, $0x1;
	s10 =	sld [smem:$0x3FBB];
	_ =	sdelay $0x3  }
0x34: {  	[smem:$0x3FBB] =	sst s10  }
0x35: {  	s10 =	sld [smem:$0x3FBA];
	_ =	sdelay $0x3  }
0x36: {  	p1 =	seq.s32 s10, $0x1;
	s10 =	sld [smem:$0x3FBB];
	_ =	sdelay $0x3  }
0x37: {  	[smem:$0x3FBB] =	sst s10  }
0x38: {  	s10 =	sld [smem:$0x3FBC]  }
0x39: {  	_ = 	snop;
	(pc) =	sbr.ind lr, $3  }
0x3a: {  	_ = 	snop  }
0x3b: {  	_ = 	snop  }
0x3c: {  	p2 =	seq.s32 s10, $0x1;
	s10 =	sld [smem:$0x3FBB]  }
0x3d: {  	_ =	shalt  }
0x3e: {  	_ =	shalt  }
0x3f: {  	_ =	shalt  }
0x40: {  	_ =	shalt  }
0x41: {  	_ =	shalt  }
0x42: {  	_ =	shalt  }
0x43: {  	_ =	shalt  }
0x44: {  	_ =	shalt  }
0x45: {  	_ =	shalt  }
0x46: {  	_ =	shalt  }
0x47: {  	_ =	shalt  }
0x48: {  	_ =	shalt  }
0x49: {  	_ =	shalt  }
0x4a: {  	_ =	shalt  }
0x4b: {  	_ =	shalt  }
0x4c: {  	_ =	shalt  }
0x4d: {  	_ =	shalt  }
0x4e: {  	_ =	shalt  }
0x4f: {  	_ =	shalt  }
0x50: {  	_ =	shalt  }
0x51: {  	_ =	shalt  }
0x52: {  	_ =	shalt  }
0x53: {  	_ =	shalt  }
0x54: {  	_ =	shalt  }
0x55: {  	_ =	shalt  }
0x56: {  	_ =	shalt  }
0x57: {  	_ =	shalt  }
0x58: {  	_ =	shalt  }
0x59: {  	_ =	shalt  }
0x5a: {  	_ =	shalt  }
0x5b: {  	_ =	shalt  }
0x5c: {  	_ =	shalt  }
0x5d: {  	_ =	shalt  }
0x5e: {  	_ =	shalt  }
0x5f: {  	_ =	shalt  }
0x60: {  	_ =	shalt  }
0x61: {  	_ =	shalt  }
0x62: {  	_ =	shalt  }
0x63: {  	_ =	shalt  }
0x64: {  	_ =	shalt  }
0x65: {  	_ =	shalt  }
0x66: {  	_ =	shalt  }
0x67: {  	_ =	shalt  }
0x68: {  	_ =	shalt  }
0x69: {  	_ =	shalt  }
0x6a: {  	_ =	shalt  }
0x6b: {  	_ =	shalt  }
0x6c: {  	_ =	shalt  }
0x6d: {  	_ =	shalt  }
0x6e: {  	_ =	shalt  }
0x6f: {  	_ =	shalt  }
0x70: {  	_ =	shalt  }
0x71: {  	_ =	shalt  }
0x72: {  	_ =	shalt  }
0x73: {  	_ =	shalt  }
0x74: {  	_ =	shalt  }
0x75: {  	_ =	shalt  }
0x76: {  	_ =	shalt  }
0x77: {  	_ =	shalt  }
0x78: {  	_ =	shalt  }
0x79: {  	_ =	shalt  }
0x7a: {  	_ =	shalt  }
0x7b: {  	_ =	shalt  }
0x7c: {  	_ =	shalt  }
0x7d: {  	_ =	shalt  }
0x7e: {  	_ =	shalt  }
0x7f: {  	_ =	shalt  }
0x80: {  	_ =	shalt  }
0x81: {  	_ =	shalt  }
0x82: {  	_ =	shalt  }
0x83: {  	_ =	shalt  }
0x84: {  	_ =	shalt  }
0x85: {  	_ =	shalt  }
0x86: {  	_ =	shalt  }
0x87: {  	_ =	shalt  }
.Lfunc_end0:
.L_simem_size_0:
called_computation_lowered:
.L_overlay_start_0:
0x88: {  	s2 =	sld [smem:$0x3FD9]  }
0x89: {  	s3 =	sld [smem:$0x3FFE];
	_ =	sdelay $0x1  }
0x8a: {  	s1 =	srdreg.scid  }
0x8b: {  	s0 =	sand.u32 $0x1, s1  }
0x8c: {  	s17 =	sshll.u32 s0, $0xA;
	s2 =	sadd.s32 s3, s2  }
0x8d: {  	s2 =	sadd.s32 s2, s17  }
0x8e: {  	[smem:$0x3FC7] =	sst s2  }
0x8f: {  	_ = 	snop  }
0x90: {  	s2 =	sld [smem:$0x3FD0];
	(tm) =	ssettm $0x1  }
0x91: {  	s18 =	sld [smem:$0x3FFB];
	_ =	sdelay $0x3  }
0x92: {  	_ =	strace s18  }
0x93: {  	s3 =	sld [smem:$0x3FFC];
	_ =	sdelay $0x3  }
0x94: {  	_ =	strace s3  }
0x95: {  	s3 =	sld [smem:$0x3FFD];
	_ =	sdelay $0x3  }
0x96: {  	_ =	strace s3  }
0x97: {  	_ =	strace $0x8FFFFFFF  }
0x98: {  	s19 =	sld [smem:$0x3FDB];
	_ =	sdelay $0x1  }
0x99: {  	s4 =	simm.s32 $_scs_section_size  }
0x9a: {  	s5 =	simm.s32 $_size__tile_overlayer_lowered;
	s6 =	simm.s32 $_tile_overlayer_lowered  }
0x9b: {  	s22 =	simm.s32 $0x1BFF;
	s21 =	sshll.u32 s6, $0x1;
	s3 =	sadd.s32 s4, s19  }
0x9c: {  	s7 =	simm.s32 $0x0;
	s20 =	sshll.u32 s5, $0x1;
	s5 =	sadd.s32 s21, s3  }
0x9d: {  	[timem:s7], [sflag:s22] =	dma.local [hbm:s5], s20  }
0x9e: {  	_ =	swait.ge [sflag:s22], s20  }
0x9f: {  	s4 =	ssub.s32 $0x0, s20;
	[sflag:s22] =	ssyncset.done $0x0  }
0xa0: {  	[sflag:s22] =	ssyncadd.s32 s4;
	_ =	sdelay $0x1  }
0xa1: {  	s23 =	simm.s32 $0x1B8B  }
0xa2: {  	_ =	swait.ge [sflag:s23], $0x1  }
0xa3: {  	[sflag:s23] =	ssyncset.done $0x0  }
0xa4: {  	s25 =	simm.s32 $0x1B8E;
	s24 =	sld [smem:$0x3FFE];
	[sflag:s23] =	ssyncadd.s32 $0xFFFFFFFF  }
0xa5: {  	s26 =	simm.s32 $execute0_lowered;
	[smem:$0x3FD2] =	sst s25  }
0xa6: {  	s5 =	sshll.u32 s26, $0x1;
	_ =	strace $0x80000046;
	[dreg:$0x1] =	wrdreg $0xFFFFFFFF  }
0xa7: {  	s28 =	simm.s32 $_size_execute0_lowered;
	s3 =	sadd.s32 s3, s5;
	[dreg:$0x0] =	wrdreg $0x0  }
0xa8: {  	s5 =	sshll.u32 s28, $0x1;
	[dreg:$0x2] =	wrdreg s3  }
0xa9: {  	[dreg:$0x3] =	wrdreg s5  }
0xaa: {  	[dreg:$0x4] =	wrdreg $0xC0  }
0xab: {  	_ =	task [dreg:s7], $0x5FFFF  }
0xac: {  	[dreg:$0x1] =	wrdreg $0xFFFFFFFF  }
0xad: {  	[dreg:$0x0] =	wrdreg $0x60  }
0xae: {  	[dreg:$0x2] =	wrdreg s24  }
0xaf: {  	[dreg:$0x3] =	wrdreg s2  }
0xb0: {  	[dreg:$0x4] =	wrdreg $0x4E200  }
0xb1: {  	[dreg:$0x5] =	wrdreg $0x9  }
0xb2: {  	_ =	task.clear_ibuf [dreg:s7], $0x6FFFF;
	_ =	strace $0x90000046  }
0xb3: {  	s29 =	simm.s32 $0x9;
	_ =	strace $0x80000048  }
0xb4: {  	_ =	swait.ge [sflag:s29], $0x1  }
0xb5: {  	[sflag:s29] =	ssyncadd.s32 $0xFFFFFFFF  }
0xb6: {  	_ =	strace $0x90000048  }
0xb7: {  	_ =	sfence  }
0xb8: {  	s30 =	sld [smem:$0x0];
	_ =	sdelay $0x2  }
0xb9: {  	s31 =	sshll.u32 s1, $0xD;
	s1 =	sshrl.u32 s1, $0x2  }
0xba: {  	s3 =	sand.u32 $0x4000, s31;
	s1 =	sadd.s32 s1, s30  }
0xbb: {  	s0 =	sor.u32 s3, s0;
	s1 =	sshll.u32 s1, $0x11  }
0xbc: {  	s0 =	sor.u32 s1, s0  }
0xbd: {  	s0 =	sadd.s32 $0x8F2B, s0  }
0xbe: {  	[sflag:s0] =	ssyncadd.remote.s32 $0x1  }
0xbf: {  	_ =	sfence.sel $0xFFFF  }
0xc0: {  	[dreg:$0x0] =	wrdreg $0xFFFFFFFF;
	(pc) =	sbr.abs _section_cstart, $3  }
0xc1: {  	[dreg:$0x1] =	wrdreg $0xFFFFFFFF  }
0xc2: {  	_ =	task.clear_ibuf [dreg:s7], $0x2FFFF;
	_ =	strace $0x9FFFFFFF  }
0xc3: {  	(tm) =	ssettm $0x7FFFFFFF  }
tec
execute0_lowered:
.L_overlay_start_1:
0x0: {  	(tag) =	ssettag $0x1  }
0x1: {  	s0 =	srdreg.scid;
	s3 =	rddreg [dreg:$0x0]  }
0x2: {  	s9 =	stileid.u32;
	s5 =	rddreg [dreg:$0x1]  }
0x3: {  	s1 =	rddreg [dreg:$0x2];
	s2 =	simm.s32 $0x0;
	s11 =	simm.f32 $1.000000000e+00  }
0x4: {  	s4 =	sand.u32 $0x1, s0;
	s26 =	sshll.u32 s9, $0x1;
	s10 =	smul.u32 $0x3E8, s9  }
0x5: {  	[smem:$0x7FF] =	sst s2;
	p1 =	sgt.u32 s9, $0x9;
	s0 =	sor.u32 s4, s26  }
0x6: {  	s6 =	ssub.s32 $0x2, s4;
	s28 =	smul.u32 $0x2710, s4;
	p0 =	seq.s32 s4, $0x0  }
0x7: {  	s7 =	smul.u32 $0x2710, s0;
	s0 =	rddreg [dreg:$0x3];
	s8 =	sshrl.u32 s6, $0x1  }
0x8: {  	_ =	strace $0x80000047;
	s11 =	simm.s32 @!p0 $0x0;
	s4 =	sadd.s32 s10, s1  }
0x9: {  	p0 =	sne.s32 s9, $0x0;
	s9 =	simm.s32 $0x0;
	s6 =	ssub.s32 s6, s8  }
0xa: {  	s30 =	sadd.s32 s10, s28;
	s8 =	simm.s32 $0x1;
	s29 =	sshrl.u32 s7, $0x3  }
0xb: {  	s31 =	sshrl.u32 s30, $0x3;
	s6 =	smax.u32 s6, $0x1;
	s3 =	sadd.s32 s3, s29  }
0xc: {  	v1 =	vimm.f32 $1.000000000e+00;
	v0 =	vmov s11;
	s7 =	simm.s32 $0x2710;
	s5 =	sadd.s32 s5, s31;
	s3 =	sadd.s32 $0xA040, s3  }
.LBB2_1:
.Ltmp0:
0xd: {  	(pc) =	sbr.rel @p0 .LBB2_5-.Ltmp0, $1  }
0xe: {  	_ =	sdelay $0x3  }
0xf: {  	s10 =	simm.s32 $0x40;
	s11 =	simm.s32 $0x0  }
.LBB2_3:
0x10: {  	p2 =	sne.s32 s10, $0x9C00;
	[tilespmem:s11+$0x2710] =	vst v0;
	s11 =	smov.u32 s10;
	s10 =	sadd.s32 $0x40, s10  }
.Ltmp1:
0x11: {  	(pc) =	sbr.rel @p2 .LBB2_3-.Ltmp1, $2  }
0x12: {  	_ =	sdelay $0x2  }
0x13: {  	s11 =	sshra.s32 s11, $0x2  }
0x14: {  	[tilespmem:s11+$0x2710] =	vst v0  }
0x15: {  	[spmem:s1] =	stream.linear.scatter [tilespmem:s7], [sflag:$0x1], $0x2710, $0x38;
	[tilespmem:$0x5098] =	vst v63  }
0x16: {  	_ =	swait.ge [sflag:s8], $0x2710  }
0x17: {  	[sflag:s8] =	ssyncset.done $0x0  }
0x18: {  	[sflag:s8] =	ssyncadd.s32 $0xFFFFD8F0  }
.LBB2_5:
0x19: {  	s10 =	simm.s32 $0x40;
	s11 =	simm.s32 $0x0  }
.LBB2_6:
0x1a: {  	p2 =	sne.s32 s10, $0x9C00;
	[tilespmem:s11+$0x2710] =	vst v1;
	s11 =	smov.u32 s10;
	s10 =	sadd.s32 $0x40, s10  }
.Ltmp2:
0x1b: {  	(pc) =	sbr.rel @p2 .LBB2_6-.Ltmp2, $2  }
0x1c: {  	_ =	sdelay $0x2  }
0x1d: {  	s11 =	sshra.s32 s11, $0x2  }
0x1e: {  	[tilespmem:s11+$0x2710] =	vst v1  }
0x1f: {  	[bflag:$0x0] =	sbarrier.arrive $0xFFFF  }
0x20: {  	[tilespmem:s2], [sflag:$0x1] =	stream.linear.gather [hbm4b:s3+s2], $0x2710, $0x38;
	[tilespmem:$0x5098] =	vst v63  }
0x21: {  	_ =	swait.ge [sflag:s8], $0x2710  }
0x22: {  	[sflag:s8] =	ssyncset.done $0x0  }
0x23: {  	[sflag:s8] =	ssyncadd.s32 $0xFFFFD8F0  }
0x24: {  	[spmem:s1] =	stream.indirect.scatter.add.f32 [tilespmem:s7], [sflag:$0x1], $0x1, s2, s7, $0xb8;
	[tilespmem:$0x5098] =	vst v63  }
0x25: {  	_ =	swait.ge [sflag:s8], $0x2710  }
0x26: {  	[sflag:s8] =	ssyncset.done $0x0  }
0x27: {  	[sflag:s8] =	ssyncadd.s32 $0xFFFFD8F0  }
0x28: {  	s10 =	simm.s32 @!p1 $0x2710;
	s11 =	simm.s32 @!p1 $0x1;
	[bflag:$0x0] =	sbarrier.arrive $0xFFFF  }
0x29: {  	[tilespmem:s10], [sflag:$0x1] =	stream.linear.gather @!p1 [spmem:s4], $0x3E8, $0x38;
	[tilespmem:$0x5098] =	vst v63  }
0x2a: {  	s9 =	sadd.s32 $0x1, s9;
	_ =	swait.ge @!p1 [sflag:s11], $0x3E8  }
0x2b: {  	p2 =	sne.s32 s9, s6;
	[sflag:s11] =	ssyncset.done @!p1 $0x0  }
.Ltmp3:
0x2c: {  	s12 =	simm.s32 @!p1 $0x0;
	[sflag:s11] =	ssyncadd.s32 @!p1 $0xFFFFFC18;
	(pc) =	sbr.rel @p2 .LBB2_1-.Ltmp3, $4  }
0x2d: {  	[hbm4b:s5+s12] =	stream.linear.scatter @!p1 [tilespmem:s10], [sflag:$0x1], $0x3E8, $0x38;
	[tilespmem:$0x5098] =	vst v63  }
0x2e: {  	_ =	swait.ge @!p1 [sflag:s11], $0x3E8  }
0x2f: {  	[sflag:s11] =	ssyncset.done @!p1 $0x0  }
0x30: {  	[sflag:s11] =	ssyncadd.s32 @!p1 $0xFFFFFC18  }
0x31: {  	_ =	sfence.sel $0x180000  }
0x32: {  	[bflag:$0x0] =	sbarrier.arrive $0xFFFF  }
0x33: {  	_ =	strace $0x90000047  }
0x34: {  	s0 =	sadd.s32 @!p0 $0x100000, s0;
	[bflag:$0x2] =	sbarrier.arrive $0xFFFF  }
0x35: {  	[sflag:s0] =	ssyncadd.tile.s32 @!p0 $0x1;
	_ =	shalt  }
.Lfunc_end2:
_tile_overlayer_lowered:
.L_overlay_start_2:
0x36: {  	(tag) =	ssettag $0x2  }
0x37: {  	s0 =	rddreg [dreg:$0x0];
	s2 =	stileid.u32  }
0x38: {  	s1 =	rddreg [dreg:$0x1];
	p0 =	sne.s32 s2, $0x0  }
0x39: {  	s3 =	rddreg [dreg:$0x2];
	[bflag:$0x3] =	sbarrier.arrive $0xFFFF;
	s2 =	simm.s32 @!p0 $0x1C01  }
0x3a: {  	[timem:s3], [sflag:s2] =	dma.local @!p0 [hbm:s0], s1  }
0x3b: {  	s0 =	simm.s32 @!p0 $0x1  }
0x3c: {  	_ =	swait.ge @!p0 [sflag:s0], s1  }
0x3d: {  	s1 =	ssub.s32 @!p0 $0x0, s1;
	[sflag:s0] =	ssyncset.done @!p0 $0x0  }
0x3e: {  	[sflag:s0] =	ssyncadd.s32 @!p0 s1  }
0x3f: {  	[bflag:$0x3] =	sbarrier.arrive $0xFFFF  }
0x40: {  	_ =	shalt  }

</sc_bundles>
